<compile_context>
chip_gen: v7x
topology: tpu7x:2x2x1
jax: 0.10.2.dev20260603
libtpu: 0.0.44.dev20260713+nightly
codegen_flags: <defaults>
</compile_context>

<pallas_src>
import jax
import jax.numpy as jnp
from jax import lax
from jax.experimental import pallas as pl
from jax.experimental.pallas import tpu as pltpu
from jax.experimental.pallas import tpu_sc as plsc

_V = 1000
_VP = 1024
_N = 1024 * 50
_NC, _NS = 2, 16
_NW = _NC * _NS
_BPW = _N // _NW
_CH = 80
_KP = 2048


def _lse_body(table_ref, lse_ref):
    x = table_ref[...]
    m = jnp.max(x, axis=1)
    s = jnp.sum(jnp.exp(x - m[:, None]), axis=1)
    lse_ref[...] = m + jnp.log(s)


def _loss_body(parts_ref, out_ref):
    out_ref[...] = jnp.full((1, 1), jnp.sum(parts_ref[...]) / _N,
                            dtype=jnp.float32)


def _mm_body(ctx_ref, hi_ref, out_ref):
    c = ctx_ref[...]
    iota_v = lax.broadcasted_iota(jnp.int32, (_V, _KP), 0)
    oh = (iota_v == c[None, :]).astype(jnp.bfloat16)
    out_ref[...] = lax.dot_general(hi_ref[...], oh, (((1,), (0,)), ((), ())),
                                   preferred_element_type=jnp.float32)


def _sc_body(ctx_hbm, tgt_hbm, tflat_hbm, lse_hbm, parts_hbm,
             idx_v, tgt_v, lse_v, fidx_v, tv_v, part_v, wsem):
    cid = lax.axis_index("c")
    sid = lax.axis_index("s")
    wid = sid * _NC + cid
    base = wid * _BPW

    pltpu.sync_copy(ctx_hbm.at[pl.ds(base, _BPW)], idx_v)
    pltpu.sync_copy(tgt_hbm.at[pl.ds(base, _BPW)], tgt_v)
    pltpu.sync_copy(lse_hbm, lse_v)

    def chunk_body(c, acc):
        off = c * _CH

        def fcompute(j, _):
            o2 = off + j * 16
            l16 = idx_v[pl.ds(o2, 16)]
            t16 = tgt_v[pl.ds(o2, 16)]
            fidx_v[pl.ds(j * 16, 16)] = l16 * _VP + t16
            return 0

        lax.fori_loop(0, _CH // 16, fcompute, 0)
        pltpu.async_copy(tflat_hbm.at[fidx_v.at[pl.ds(0, _CH)]],
                         tv_v, wsem).wait()

        def inner(j, acc2):
            o2 = off + j * 16
            l16 = idx_v[pl.ds(o2, 16)]
            lv = plsc.load_gather(lse_v, [l16])
            return acc2 + (lv - tv_v[pl.ds(j * 16, 16)])

        return lax.fori_loop(0, _CH // 16, inner, acc)

    acc = lax.fori_loop(0, _BPW // _CH, chunk_body,
                        jnp.zeros((16,), jnp.float32))
    part_v[...] = acc
    pltpu.sync_copy(part_v, parts_hbm.at[wid])


@jax.jit
def kernel(context, targets, table):
    ctx_flat = context.reshape(-1)
    tgt_flat = targets.reshape(-1)
    tablep = jnp.pad(table, ((0, 0), (0, _VP - _V)))
    tflat = tablep.reshape(-1)
    hi = table.T.astype(jnp.bfloat16)

    lse = pl.pallas_call(
        _lse_body,
        out_shape=jax.ShapeDtypeStruct((_V,), jnp.float32),
    )(table)

    mesh = plsc.VectorSubcoreMesh(core_axis_name="c", subcore_axis_name="s",
                                  num_cores=_NC, num_subcores=_NS)
    parts = pl.kernel(
        _sc_body,
        out_type=jax.ShapeDtypeStruct((_NW, 16), jnp.float32),
        mesh=mesh,
        compiler_params=pltpu.CompilerParams(needs_layout_passes=False),
        scratch_types=[
            pltpu.VMEM((_BPW,), jnp.int32),
            pltpu.VMEM((_BPW,), jnp.int32),
            pltpu.VMEM((_V,), jnp.float32),
            pltpu.VMEM((_CH,), jnp.int32),
            pltpu.VMEM((_CH,), jnp.float32),
            pltpu.VMEM((16,), jnp.float32),
            pltpu.SemaphoreType.DMA,
        ],
    )(ctx_flat, tgt_flat, tflat, lse)

    logitsT = pl.pallas_call(
        _mm_body,
        grid=(_N // _KP,),
        in_specs=[pl.BlockSpec((_KP,), lambda i: (i,)),
                  pl.BlockSpec((_V, _V), lambda i: (0, 0))],
        out_specs=pl.BlockSpec((_V, _KP), lambda i: (0, i)),
        out_shape=jax.ShapeDtypeStruct((_V, _N), jnp.float32),
    )(ctx_flat, hi)

    loss2d = pl.pallas_call(
        _loss_body,
        out_shape=jax.ShapeDtypeStruct((1, 1), jnp.float32),
    )(parts)

    return (logitsT.T, loss2d.reshape(()))

# --- scband reference (transcript-rebuilt; emitter-appended) ---
"""Pipeline reference for scband-bigram-language-model-74345883894517 (READ-ONLY COPY).

The authoritative reference and input builder live on the scoring server;
editing this copy changes nothing except your own understanding.
"""

import jax, jax.numpy as jnp
import numpy as np

V = 1000
B = 1024
C = 50

def setup_inputs(seed: int = 0) -> dict:
    key = jax.random.key(seed)
    k1, k2, k3 = jax.random.split(key, 3)
    context = jax.random.randint(k1, (B, C), 0, V, dtype=jnp.int32)
    targets = jax.random.randint(k2, (B, C), 0, V, dtype=jnp.int32)
    table = jax.random.normal(k3, (V, V), dtype=jnp.float32) * 0.02
    return {"context": context, "targets": targets, "table": table}

def reference(context, targets, table):
    # logits = embedding_table(context)  -> gather rows of [V, V] table
    logits = jnp.take(table, context, axis=0)  # [B, C, V]
    Bb, Cc, Vv = logits.shape
    logits2 = logits.reshape(Bb * Cc, Vv)
    t = targets.reshape(Bb * Cc)
    # F.cross_entropy(logits, targets) with mean reduction
    logp = jax.nn.log_softmax(logits2, axis=-1)
    nll = -jnp.take_along_axis(logp, t[:, None], axis=1)[:, 0]
    loss = jnp.mean(nll)
    return (logits2, loss)

if __name__ == "__main__":
    import jax
    _d = setup_inputs()
    print(jax.jit(kernel)(*tuple(_d.values())))

</pallas_src>

<mosaic_0001>
#map = affine_map<(d0, d1) -> (0)>
#map1 = affine_map<(d0, d1) -> (0, 0)>
module attributes {stable_mosaic.version = 14 : i64} {
  func.func @_sc_body(%arg0: i32, %arg1: i32, %arg2: memref<51200xi32, #tpu.memory_space<hbm>>, %arg3: memref<51200xi32, #tpu.memory_space<hbm>>, %arg4: memref<1024000xf32, #tpu.memory_space<hbm>>, %arg5: memref<1000xf32, #tpu.memory_space<hbm>>, %arg6: memref<32x16xf32, #tpu.memory_space<hbm>>, %arg7: memref<1600xi32, #tpu.memory_space<vmem>>, %arg8: memref<1600xi32, #tpu.memory_space<vmem>>, %arg9: memref<1000xf32, #tpu.memory_space<vmem>>, %arg10: memref<80xi32, #tpu.memory_space<vmem>>, %arg11: memref<80xf32, #tpu.memory_space<vmem>>, %arg12: memref<16xf32, #tpu.memory_space<vmem>>, %arg13: memref<!tpu.dma_semaphore, #tpu.memory_space<semaphore_mem>>) attributes {dimension_semantics = [#tpu.dimension_semantics<core_parallel>, #tpu.dimension_semantics<subcore_parallel>], iteration_bounds = array<i64: 2, 16>, scalar_prefetch = 0 : i64, scratch_operands = 7 : i64, tpu.core_type = #tpu.core_type<sc_vector_subcore>, window_params = [{transform_indices = #map}, {transform_indices = #map}, {transform_indices = #map}, {transform_indices = #map}, {transform_indices = #map1}]} {
    %mul3A = arith.constant 2 : i32
    %mul3A_0 = arith.muli %arg1, %mul3A : i32
    %add3A = arith.addi %mul3A_0, %arg0 : i32
    %mul3A_1 = arith.constant 1600 : i32
    %mul3A_2 = arith.muli %add3A, %mul3A_1 : i32
    "tpu.region"() ({
      %run_scoped3A = tpu.sem_alloc : memref<!tpu.dma_semaphore, #tpu.memory_space<semaphore_mem>>
      %dma_start3A = tpu.memref_slice %arg2[%mul3A_2] : memref<51200xi32, #tpu.memory_space<hbm>> -> memref<1600xi32, #tpu.memory_space<hbm>>
      %dma_start3A_10 = tpu.memref_slice %arg2[%mul3A_2] : memref<51200xi32, #tpu.memory_space<hbm>> -> memref<1600xi32, #tpu.memory_space<hbm>>
      tpu.enqueue_dma source(%dma_start3A_10 : memref<1600xi32, #tpu.memory_space<hbm>>) target(%arg7 : memref<1600xi32, #tpu.memory_space<vmem>>) target_semaphore(%run_scoped3A : memref<!tpu.dma_semaphore, #tpu.memory_space<semaphore_mem>>)
      %dma_wait3A = tpu.memref_slice %arg2[%mul3A_2] : memref<51200xi32, #tpu.memory_space<hbm>> -> memref<1600xi32, #tpu.memory_space<hbm>>
      %dma_wait3A_11 = tpu.memref_slice %arg2[%mul3A_2] : memref<51200xi32, #tpu.memory_space<hbm>> -> memref<1600xi32, #tpu.memory_space<hbm>>
      tpu.wait_dma2 semaphore(%run_scoped3A : memref<!tpu.dma_semaphore, #tpu.memory_space<semaphore_mem>>) src(%dma_wait3A_11 : memref<1600xi32, #tpu.memory_space<hbm>>) dst(%arg7 : memref<1600xi32, #tpu.memory_space<vmem>>)
      tpu.yield
    }) : () -> ()
    "tpu.region"() ({
      %run_scoped3A = tpu.sem_alloc : memref<!tpu.dma_semaphore, #tpu.memory_space<semaphore_mem>>
      %dma_start3A = tpu.memref_slice %arg3[%mul3A_2] : memref<51200xi32, #tpu.memory_space<hbm>> -> memref<1600xi32, #tpu.memory_space<hbm>>
      %dma_start3A_10 = tpu.memref_slice %arg3[%mul3A_2] : memref<51200xi32, #tpu.memory_space<hbm>> -> memref<1600xi32, #tpu.memory_space<hbm>>
      tpu.enqueue_dma source(%dma_start3A_10 : memref<1600xi32, #tpu.memory_space<hbm>>) target(%arg8 : memref<1600xi32, #tpu.memory_space<vmem>>) target_semaphore(%run_scoped3A : memref<!tpu.dma_semaphore, #tpu.memory_space<semaphore_mem>>)
      %dma_wait3A = tpu.memref_slice %arg3[%mul3A_2] : memref<51200xi32, #tpu.memory_space<hbm>> -> memref<1600xi32, #tpu.memory_space<hbm>>
      %dma_wait3A_11 = tpu.memref_slice %arg3[%mul3A_2] : memref<51200xi32, #tpu.memory_space<hbm>> -> memref<1600xi32, #tpu.memory_space<hbm>>
      tpu.wait_dma2 semaphore(%run_scoped3A : memref<!tpu.dma_semaphore, #tpu.memory_space<semaphore_mem>>) src(%dma_wait3A_11 : memref<1600xi32, #tpu.memory_space<hbm>>) dst(%arg8 : memref<1600xi32, #tpu.memory_space<vmem>>)
      tpu.yield
    }) : () -> ()
    "tpu.region"() ({
      %run_scoped3A = tpu.sem_alloc : memref<!tpu.dma_semaphore, #tpu.memory_space<semaphore_mem>>
      tpu.enqueue_dma source(%arg5 : memref<1000xf32, #tpu.memory_space<hbm>>) target(%arg9 : memref<1000xf32, #tpu.memory_space<vmem>>) target_semaphore(%run_scoped3A : memref<!tpu.dma_semaphore, #tpu.memory_space<semaphore_mem>>)
      tpu.wait_dma2 semaphore(%run_scoped3A : memref<!tpu.dma_semaphore, #tpu.memory_space<semaphore_mem>>) src(%arg5 : memref<1000xf32, #tpu.memory_space<hbm>>) dst(%arg9 : memref<1000xf32, #tpu.memory_space<vmem>>)
      tpu.yield
    }) : () -> ()
    %broadcast_in_dim3A = arith.constant 0.000000e+00 : f32
    %broadcast_in_dim3A_3 = vector.broadcast %broadcast_in_dim3A : f32 to vector<16xf32>
    %scan3A = arith.constant 0 : i32
    %scan3A_4 = arith.constant 20 : i32
    %scan3A_5 = arith.addi %scan3A, %scan3A_4 : i32
    %scan3A_6 = arith.constant 1 : i32
    %scan3A_7 = scf.for %scan3A_10 = %scan3A to %scan3A_5 step %scan3A_6 iter_args(%scan3A_11 = %broadcast_in_dim3A_3) -> (vector<16xf32>)  : i32 {
      %mul3A_12 = arith.constant 80 : i32
      %mul3A_13 = arith.muli %scan3A_10, %mul3A_12 : i32
      %scan3A_14 = arith.constant 0 : i32
      %scan3A_15 = arith.constant 0 : i32
      %scan3A_16 = arith.constant 5 : i32
      %scan3A_17 = arith.addi %scan3A_15, %scan3A_16 : i32
      %scan3A_18 = arith.constant 1 : i32
      %scan3A_19 = scf.for %scan3A_33 = %scan3A_15 to %scan3A_17 step %scan3A_18 iter_args(%scan3A_34 = %scan3A_14) -> (i32)  : i32 {
        %mul3A_35 = arith.constant 16 : i32
        %mul3A_36 = arith.muli %scan3A_33, %mul3A_35 : i32
        %add3A_37 = arith.addi %mul3A_13, %mul3A_36 : i32
        %get3A = arith.index_cast %add3A_37 : i32 to index
        %get3A_38 = tpu.vector_load %arg7[%get3A] {strides = array<i32>} : memref<1600xi32, #tpu.memory_space<vmem>>, vector<16xi32>,
        %get3A_39 = arith.index_cast %add3A_37 : i32 to index
        %get3A_40 = tpu.vector_load %arg8[%get3A_39] {strides = array<i32>} : memref<1600xi32, #tpu.memory_space<vmem>>, vector<16xi32>,
        %mul3A_41 = arith.constant 1024 : i32
        %mul3A_42 = vector.broadcast %mul3A_41 : i32 to vector<16xi32>
        %mul3A_43 = arith.muli %get3A_38, %mul3A_42 : vector<16xi32>
        %add3A_44 = arith.addi %mul3A_43, %get3A_40 : vector<16xi32>
        %mul3A_45 = arith.constant 16 : i32
        %mul3A_46 = arith.muli %scan3A_33, %mul3A_45 : i32
        %swap3A_47 = arith.index_cast %mul3A_46 : i32 to index
        %swap3A_48 = tpu.vector_load %arg10[%swap3A_47] {strides = array<i32>} : memref<80xi32, #tpu.memory_space<vmem>>, vector<16xi32>,
        tpu.vector_store %arg10[%swap3A_47], %add3A_44 {strides = array<i32>} : memref<80xi32, #tpu.memory_space<vmem>>, vector<16xi32>,
        %scan3A_49 = arith.constant 0 : i32
        scf.yield %scan3A_49 : i32
      }
      %scan3A_20 = arith.constant 5 : i32
      %dma_start3A = arith.constant 0 : i32
      %dma_start3A_21 = tpu.memref_slice %arg10[%dma_start3A] : memref<80xi32, #tpu.memory_space<vmem>> -> memref<80xi32, #tpu.memory_space<vmem>>
      %dma_start3A_22 = arith.constant 0 : i32
      %dma_start3A_23 = tpu.memref_slice %arg4[%dma_start3A_22] : memref<1024000xf32, #tpu.memory_space<hbm>> -> memref<1024000xf32, #tpu.memory_space<hbm>>
      tpu.enqueue_indirect_dma source(%dma_start3A_23 : memref<1024000xf32, #tpu.memory_space<hbm>>) target(%arg11 : memref<80xf32, #tpu.memory_space<vmem>>) offsets(%dma_start3A_21 : memref<80xi32, #tpu.memory_space<vmem>>) semaphore(%arg13 : memref<!tpu.dma_semaphore, #tpu.memory_space<semaphore_mem>>)
      %dma_wait3A = arith.constant 0 : i32
      %dma_wait3A_24 = tpu.memref_slice %arg10[%dma_wait3A] : memref<80xi32, #tpu.memory_space<vmem>> -> memref<80xi32, #tpu.memory_space<vmem>>
      %dma_wait3A_25 = arith.constant 0 : i32
      %dma_wait3A_26 = tpu.memref_slice %arg4[%dma_wait3A_25] : memref<1024000xf32, #tpu.memory_space<hbm>> -> memref<1024000xf32, #tpu.memory_space<hbm>>
      tpu.wait_indirect_dma semaphore(%arg13 : memref<!tpu.dma_semaphore, #tpu.memory_space<semaphore_mem>>) src(%dma_wait3A_26 : memref<1024000xf32, #tpu.memory_space<hbm>>) dst(%arg11 : memref<80xf32, #tpu.memory_space<vmem>>)
      %scan3A_27 = arith.constant 0 : i32
      %scan3A_28 = arith.constant 5 : i32
      %scan3A_29 = arith.addi %scan3A_27, %scan3A_28 : i32
      %scan3A_30 = arith.constant 1 : i32
      %scan3A_31 = scf.for %scan3A_33 = %scan3A_27 to %scan3A_29 step %scan3A_30 iter_args(%scan3A_34 = %scan3A_11) -> (vector<16xf32>)  : i32 {
        %mul3A_35 = arith.constant 16 : i32
        %mul3A_36 = arith.muli %scan3A_33, %mul3A_35 : i32
        %add3A_37 = arith.addi %mul3A_13, %mul3A_36 : i32
        %get3A = arith.index_cast %add3A_37 : i32 to index
        %get3A_38 = tpu.vector_load %arg7[%get3A] {strides = array<i32>} : memref<1600xi32, #tpu.memory_space<vmem>>, vector<16xi32>,
        %gather3A = tpu.vector_load_idx %arg9[%get3A_38] : memref<1000xf32, #tpu.memory_space<vmem>>[vector<16xi32>], vector<16xf32>,
        %mul3A_39 = arith.constant 16 : i32
        %mul3A_40 = arith.muli %scan3A_33, %mul3A_39 : i32
        %get3A_41 = arith.index_cast %mul3A_40 : i32 to index
        %get3A_42 = tpu.vector_load %arg11[%get3A_41] {strides = array<i32>} : memref<80xf32, #tpu.memory_space<vmem>>, vector<16xf32>,
        %sub3A = arith.subf %gather3A, %get3A_42 : vector<16xf32>
        %add3A_43 = arith.addf %scan3A_34, %sub3A : vector<16xf32>
        scf.yield %add3A_43 : vector<16xf32>
      }
      %scan3A_32 = arith.constant 5 : i32
      scf.yield %scan3A_31 : vector<16xf32>
    }
    %scan3A_8 = arith.constant 20 : i32
    %swap3A = arith.constant 0 : index
    %swap3A_9 = tpu.vector_load %arg12[%swap3A] {strides = array<i32>} : memref<16xf32, #tpu.memory_space<vmem>>, vector<16xf32>,
    tpu.vector_store %arg12[%swap3A], %scan3A_7 {strides = array<i32>} : memref<16xf32, #tpu.memory_space<vmem>>, vector<16xf32>,
    "tpu.region"() ({
      %run_scoped3A = tpu.sem_alloc : memref<!tpu.dma_semaphore, #tpu.memory_space<semaphore_mem>>
      %dma_start3A = arith.constant 0 : i32
      %dma_start3A_10 = tpu.memref_slice %arg6[%add3A, %dma_start3A] : memref<32x16xf32, #tpu.memory_space<hbm>> -> memref<1x16xf32, #tpu.memory_space<hbm>>
      %dma_start3A_11 = tpu.memref_squeeze %dma_start3A_10 : memref<1x16xf32, #tpu.memory_space<hbm>> -> memref<16xf32, #tpu.memory_space<hbm>>
      %dma_start3A_12 = arith.constant 0 : i32
      %dma_start3A_13 = tpu.memref_slice %arg6[%add3A, %dma_start3A_12] : memref<32x16xf32, #tpu.memory_space<hbm>> -> memref<1x16xf32, #tpu.memory_space<hbm>>
      %dma_start3A_14 = tpu.memref_squeeze %dma_start3A_13 : memref<1x16xf32, #tpu.memory_space<hbm>> -> memref<16xf32, #tpu.memory_space<hbm>>
      tpu.enqueue_dma source(%arg12 : memref<16xf32, #tpu.memory_space<vmem>>) target(%dma_start3A_14 : memref<16xf32, #tpu.memory_space<hbm>>) target_semaphore(%run_scoped3A : memref<!tpu.dma_semaphore, #tpu.memory_space<semaphore_mem>>)
      %dma_wait3A = arith.constant 0 : i32
      %dma_wait3A_15 = tpu.memref_slice %arg6[%add3A, %dma_wait3A] : memref<32x16xf32, #tpu.memory_space<hbm>> -> memref<1x16xf32, #tpu.memory_space<hbm>>
      %dma_wait3A_16 = tpu.memref_squeeze %dma_wait3A_15 : memref<1x16xf32, #tpu.memory_space<hbm>> -> memref<16xf32, #tpu.memory_space<hbm>>
      %dma_wait3A_17 = arith.constant 0 : i32
      %dma_wait3A_18 = tpu.memref_slice %arg6[%add3A, %dma_wait3A_17] : memref<32x16xf32, #tpu.memory_space<hbm>> -> memref<1x16xf32, #tpu.memory_space<hbm>>
      %dma_wait3A_19 = tpu.memref_squeeze %dma_wait3A_18 : memref<1x16xf32, #tpu.memory_space<hbm>> -> memref<16xf32, #tpu.memory_space<hbm>>
      tpu.wait_dma2 semaphore(%run_scoped3A : memref<!tpu.dma_semaphore, #tpu.memory_space<semaphore_mem>>) src(%arg12 : memref<16xf32, #tpu.memory_space<vmem>>) dst(%dma_wait3A_19 : memref<16xf32, #tpu.memory_space<hbm>>)
      tpu.yield
    }) : () -> ()
    return
  }
}

module attributes {stable_mosaic.version = 14 : i64} {
  func.func @_lse_body(%arg0: memref<1000x1000xf32, #tpu.memory_space<vmem>>, %arg1: memref<1000xf32, #tpu.memory_space<vmem>>) attributes {dimension_semantics = [], scalar_prefetch = 0 : i64, scratch_operands = 0 : i64, tpu.core_type = #tpu.core_type<tc>} {
    %get3A = arith.constant 0 : index
    %get3A_0 = arith.constant 0 : index
    %get3A_1 = vector.load %arg0[%get3A, %get3A_0] : memref<1000x1000xf32, #tpu.memory_space<vmem>>, vector<1000x1000xf32>
    %reduce_max3A = arith.constant dense<0xFF800000> : vector<1000xf32>
    %reduce_max3A_2 = vector.multi_reduction <maximumf>, %get3A_1, %reduce_max3A [1] : vector<1000x1000xf32> to vector<1000xf32>
    %broadcast_in_dim3A = vector.shape_cast %reduce_max3A_2 : vector<1000xf32> to vector<1000x1xf32>
    %sub3A = vector.broadcast %broadcast_in_dim3A : vector<1000x1xf32> to vector<1000x1000xf32>
    %sub3A_3 = arith.subf %get3A_1, %sub3A : vector<1000x1000xf32>
    %exp3A = math.exp %sub3A_3 : vector<1000x1000xf32>
    %reduce_sum3A = arith.constant dense<0.000000e+00> : vector<1000xf32>
    %reduce_sum3A_4 = vector.multi_reduction <add>, %exp3A, %reduce_sum3A [1] : vector<1000x1000xf32> to vector<1000xf32>
    %log3A = math.log %reduce_sum3A_4 : vector<1000xf32>
    %add3A = arith.addf %reduce_max3A_2, %log3A : vector<1000xf32>
    %swap3A = arith.constant 0 : index
    %swap3A_5 = vector.load %arg1[%swap3A] : memref<1000xf32, #tpu.memory_space<vmem>>, vector<1000xf32>
    tpu.vector_store %arg1[%swap3A], %add3A {strides = array<i32>} : memref<1000xf32, #tpu.memory_space<vmem>>, vector<1000xf32>,
    return
  }
}

module attributes {stable_mosaic.version = 14 : i64} {
  func.func @_mm_body(%arg0: i32, %arg1: memref<2048xi32, #tpu.memory_space<vmem>>, %arg2: memref<1000x1000xbf16, #tpu.memory_space<vmem>>, %arg3: memref<1000x2048xf32, #tpu.memory_space<vmem>>) attributes {dimension_semantics = [#tpu.dimension_semantics<arbitrary>], iteration_bounds = array<i64: 25>, scalar_prefetch = 0 : i64, scratch_operands = 0 : i64, tpu.core_type = #tpu.core_type<tc>, window_params = [{transform_indices = @transform_0, window_bounds = array<i64: 2048>}, {pipeline_mode = #tpu.pipeline_mode<synchronous>, transform_indices = @transform_1, window_bounds = array<i64: 1000, 1000>}, {transform_indices = @transform_2, window_bounds = array<i64: 1000, 2048>}]} {
    %get3A = arith.constant 0 : index
    %get3A_0 = vector.load %arg1[%get3A] : memref<2048xi32, #tpu.memory_space<vmem>>, vector<2048xi32>
    %iota3A = tpu.iota {dimensions = array<i32: 0>} : vector<1000x2048xi32>
    %broadcast_in_dim3A = vector.shape_cast %get3A_0 : vector<2048xi32> to vector<1x2048xi32>
    %eq3A = vector.broadcast %broadcast_in_dim3A : vector<1x2048xi32> to vector<1000x2048xi32>
    %eq3A_1 = arith.cmpi eq, %iota3A, %eq3A : vector<1000x2048xi32>
    %convert_element_type3A = arith.extui %eq3A_1 : vector<1000x2048xi1> to vector<1000x2048xi32>
    %convert_element_type3A_2 = arith.sitofp %convert_element_type3A : vector<1000x2048xi32> to vector<1000x2048xf32>
    %convert_element_type3A_3 = arith.truncf %convert_element_type3A_2 : vector<1000x2048xf32> to vector<1000x2048xbf16>
    %get3A_4 = arith.constant 0 : index
    %get3A_5 = arith.constant 0 : index
    %get3A_6 = vector.load %arg2[%get3A_4, %get3A_5] : memref<1000x1000xbf16, #tpu.memory_space<vmem>>, vector<1000x1000xbf16>
    %dot_general3A = arith.constant dense<0.000000e+00> : vector<1000x2048xf32>
    %dot_general3A_7 = tpu.matmul %get3A_6, %convert_element_type3A_3, %dot_general3A {dimension_numbers = #tpu.dot_dimension_numbers<[1], [0], [0], [1], [0, 0, 1, 1], [], []>, transpose_lhs_hint = false} : vector<1000x1000xbf16>, vector<1000x2048xbf16>, vector<1000x2048xf32> -> vector<1000x2048xf32>
    %swap3A = arith.constant 0 : index
    %swap3A_8 = arith.constant 0 : index
    %swap3A_9 = vector.load %arg3[%swap3A, %swap3A_8] : memref<1000x2048xf32, #tpu.memory_space<vmem>>, vector<1000x2048xf32>
    tpu.vector_store %arg3[%swap3A, %swap3A_8], %dot_general3A_7 {strides = array<i32>} : memref<1000x2048xf32, #tpu.memory_space<vmem>>, vector<1000x2048xf32>,
    return
  }
  func.func @transform_0(%arg0: i32) -> i32 {
    %c0_i32 = arith.constant 0 : i32
    return %arg0 : i32
  }
  func.func @transform_1(%arg0: i32) -> (i32, i32) {
    %c0_i32 = arith.constant 0 : i32
    %c0_i32_0 = arith.constant 0 : i32
    %c0_i32_1 = arith.constant 0 : i32
    return %c0_i32, %c0_i32_0 : i32, i32
  }
  func.func @transform_2(%arg0: i32) -> (i32, i32) {
    %c0_i32 = arith.constant 0 : i32
    %c0_i32_0 = arith.constant 0 : i32
    return %c0_i32, %arg0 : i32, i32
  }
}

module attributes {stable_mosaic.version = 14 : i64} {
  func.func @_loss_body(%arg0: memref<32x16xf32, #tpu.memory_space<vmem>>, %arg1: memref<1x1xf32, #tpu.memory_space<vmem>>) attributes {dimension_semantics = [], scalar_prefetch = 0 : i64, scratch_operands = 0 : i64, tpu.core_type = #tpu.core_type<tc>} {
    %get3A = arith.constant 0 : index
    %get3A_0 = arith.constant 0 : index
    %get3A_1 = vector.load %arg0[%get3A, %get3A_0] : memref<32x16xf32, #tpu.memory_space<vmem>>, vector<32x16xf32>
    %reduce_sum3A = vector.shape_cast %get3A_1 : vector<32x16xf32> to vector<1x32x16xf32>
    %reduce_sum3A_2 = arith.constant dense<0.000000e+00> : vector<1xf32>
    %reduce_sum3A_3 = vector.multi_reduction <add>, %reduce_sum3A, %reduce_sum3A_2 [1, 2] : vector<1x32x16xf32> to vector<1xf32>
    %reduce_sum3A_4 = vector.shape_cast %reduce_sum3A_3 : vector<1xf32> to vector<1x1x1xf32>
    %reduce_sum3A_5 = vector.extract %reduce_sum3A_4[0, 0, 0] : f32 from vector<1x1x1xf32>
    %div3A = arith.constant 5.120000e+04 : f32
    %div3A_6 = arith.divf %reduce_sum3A_5, %div3A : f32
    %broadcast_in_dim3A = vector.broadcast %div3A_6 : f32 to vector<1x1xf32>
    %swap3A = arith.constant 0 : index
    %swap3A_7 = arith.constant 0 : index
    %swap3A_8 = vector.load %arg1[%swap3A, %swap3A_7] : memref<1x1xf32, #tpu.memory_space<vmem>>, vector<1x1xf32>
    tpu.vector_store %arg1[%swap3A, %swap3A_7], %broadcast_in_dim3A {strides = array<i32>} : memref<1x1xf32, #tpu.memory_space<vmem>>, vector<1x1xf32>,
    return
  }
}

</mosaic_0001>

<sc_bundles>
// kernel: kernel.6.cloned.1.call-start
scs
__scs_entry_jumppad:
0x0: {  	(pc) =	sbr.rel $0x88, $3  }
0x1: {  	(tag) =	ssettag $0x0;
	lr =	simm.s32 $0x1  }
0x2: {  	[smem:$0x3F9E] =	sst lr;
	_ =	strace $0xD0000000  }
0x3: {  	_ = 	snop  }
0x4: {  	_ = 	snop  }
0x5: {  	_ = 	snop  }
0x6: {  	_ = 	snop  }
0x7: {  	_ = 	snop  }
__scs_overlays_trampoline_lowered:
0x8: {  	[smem:$0x3FAD] =	sst s0  }
0x9: {  	[smem:$0x3FAE] =	sst s1  }
0xa: {  	[smem:$0x3FAF] =	sst s2  }
0xb: {  	[smem:$0x3FB0] =	sst s3  }
0xc: {  	[smem:$0x3FB1] =	sst s4  }
0xd: {  	[smem:$0x3FB2] =	sst s5  }
0xe: {  	[smem:$0x3FB3] =	sst s6  }
0xf: {  	[smem:$0x3FB4] =	sst s7  }
0x10: {  	[smem:$0x3FB5] =	sst s8  }
0x11: {  	[smem:$0x3FB6] =	sst s9;
	s0 =	simm.s32 @!p0 $0x0  }
0x12: {  	s1 =	sld [smem:$0x3F9C];
	s0 =	simm.s32 @p0 $0x1  }
0x13: {  	[smem:$0x3FB7] =	sst s0;
	s0 =	simm.s32 @!p1 $0x0  }
0x14: {  	s2 =	sld [smem:$0x3F9B];
	s0 =	simm.s32 @p1 $0x1  }
0x15: {  	[smem:$0x3FB8] =	sst s0;
	s0 =	simm.s32 @!p2 $0x0  }
0x16: {  	s3 =	sld [smem:$0x3FDB];
	s0 =	simm.s32 @p2 $0x1  }
0x17: {  	s4 =	simm.s32 $0x1BF5;
	[smem:$0x3FBA] =	sst s0  }
0x18: {  	s0 =	sld [smem:$0x3F9D];
	_ =	swait.ge [sflag:s4], $0x0  }
0x19: {  	s7 =	sld [smem:$0x3F9E]  }
0x1a: {  	s8 =	sadd.s32 $0xFFFFE003, lr  }
0x1b: {  	s9 =	sadd.s32 $0xFFFFFEF7, lr;
	s5 =	simm.s32 $0xFFFFFFFF;
	p2 =	slt.u32 s8, $0xFFFFF086  }
0x1c: {  	p1 =	slt.u32 s9, $0xF7A;
	s5 =	simm.s32 @!p2 $0x0  }
0x1d: {  	s5 =	simm.s32 @p1 $0x1;
	p0 =	seq.s32 s7, s2  }
0x1e: {  	s7 =	smul.u32 @!p0 $0xF7A, s2;
	p2 =	seq.s32 @!p0 s5, $0x0  }
0x1f: {  	s9 =	smul.u32 $0xF7A, s1;
	s8 =	simm.s32 @!p0 $0x1BF5;
	p2 =	por !p2, p0  }
0x20: {  	[sflag:s8] =	ssyncset.s32 @!p0 $0xFFFFF086;
	s6 =	sadd.s32 @!p0 s3, s7;
	s7 =	simm.s32 @!p0 $0x108  }
0x21: {  	s3 =	sadd.s32 s3, s9;
	s6 =	sadd.s32 @!p0 $0x88, s6;
	s7 =	simm.s32 @p2 $0x1082  }
0x22: {  	[simem:s7], [sflag:s8] =	dma.local @!p0 [hbm:s6], $0xF7A  }
0x23: {  	s9 =	sor.u32 $0xD0000000, s2;
	s6 =	simm.s32 $0x108;
	_ =	swait.ge @!p0 [sflag:s8], $0x0  }
0x24: {  	s3 =	sadd.s32 $0x88, s3;
	s6 =	simm.s32 @!p1 $0x1082;
	[sflag:s4] =	ssyncset.s32 $0xFFFFF086  }
0x25: {  	[simem:s6], [sflag:s4] =	dma.local [hbm:s3], $0xF7A  }
0x26: {  	[smem:$0x3F9E] =	sst s1;
	(tag) =	ssettag s2;
	_ =	strace s9  }
0x27: {  	s1 =	sld [smem:$0x3FAE]  }
0x28: {  	s2 =	sld [smem:$0x3FAF]  }
0x29: {  	s4 =	sld [smem:$0x3FB1]  }
0x2a: {  	p0 =	seq.s32 s5, $0x0;
	s5 =	sld [smem:$0x3FB2]  }
0x2b: {  	s6 =	sld [smem:$0x3FB3]  }
0x2c: {  	s7 =	sld [smem:$0x3FB4]  }
0x2d: {  	s3 =	simm.s32 $0x108;
	s8 =	sld [smem:$0x3FB5]  }
0x2e: {  	s3 =	simm.s32 @!p0 $0x1082;
	s9 =	sld [smem:$0x3FB6]  }
0x2f: {  	lr =	sadd.s32 s0, s3;
	s0 =	sld [smem:$0x3FAD]  }
0x30: {  	s3 =	sld [smem:$0x3FB0]  }
0x31: {  	[smem:$0x3FB9] =	sst s10  }
0x32: {  	s10 =	sld [smem:$0x3FB7];
	_ =	sdelay $0x3  }
0x33: {  	p0 =	seq.s32 s10, $0x1;
	s10 =	sld [smem:$0x3FB9];
	_ =	sdelay $0x3  }
0x34: {  	[smem:$0x3FB9] =	sst s10  }
0x35: {  	s10 =	sld [smem:$0x3FB8];
	_ =	sdelay $0x3  }
0x36: {  	p1 =	seq.s32 s10, $0x1;
	s10 =	sld [smem:$0x3FB9];
	_ =	sdelay $0x3  }
0x37: {  	[smem:$0x3FB9] =	sst s10  }
0x38: {  	s10 =	sld [smem:$0x3FBA]  }
0x39: {  	_ = 	snop;
	(pc) =	sbr.ind lr, $3  }
0x3a: {  	_ = 	snop  }
0x3b: {  	_ = 	snop  }
0x3c: {  	p2 =	seq.s32 s10, $0x1;
	s10 =	sld [smem:$0x3FB9]  }
0x3d: {  	_ =	shalt  }
0x3e: {  	_ =	shalt  }
0x3f: {  	_ =	shalt  }
0x40: {  	_ =	shalt  }
0x41: {  	_ =	shalt  }
0x42: {  	_ =	shalt  }
0x43: {  	_ =	shalt  }
0x44: {  	_ =	shalt  }
0x45: {  	_ =	shalt  }
0x46: {  	_ =	shalt  }
0x47: {  	_ =	shalt  }
0x48: {  	_ =	shalt  }
0x49: {  	_ =	shalt  }
0x4a: {  	_ =	shalt  }
0x4b: {  	_ =	shalt  }
0x4c: {  	_ =	shalt  }
0x4d: {  	_ =	shalt  }
0x4e: {  	_ =	shalt  }
0x4f: {  	_ =	shalt  }
0x50: {  	_ =	shalt  }
0x51: {  	_ =	shalt  }
0x52: {  	_ =	shalt  }
0x53: {  	_ =	shalt  }
0x54: {  	_ =	shalt  }
0x55: {  	_ =	shalt  }
0x56: {  	_ =	shalt  }
0x57: {  	_ =	shalt  }
0x58: {  	_ =	shalt  }
0x59: {  	_ =	shalt  }
0x5a: {  	_ =	shalt  }
0x5b: {  	_ =	shalt  }
0x5c: {  	_ =	shalt  }
0x5d: {  	_ =	shalt  }
0x5e: {  	_ =	shalt  }
0x5f: {  	_ =	shalt  }
0x60: {  	_ =	shalt  }
0x61: {  	_ =	shalt  }
0x62: {  	_ =	shalt  }
0x63: {  	_ =	shalt  }
0x64: {  	_ =	shalt  }
0x65: {  	_ =	shalt  }
0x66: {  	_ =	shalt  }
0x67: {  	_ =	shalt  }
0x68: {  	_ =	shalt  }
0x69: {  	_ =	shalt  }
0x6a: {  	_ =	shalt  }
0x6b: {  	_ =	shalt  }
0x6c: {  	_ =	shalt  }
0x6d: {  	_ =	shalt  }
0x6e: {  	_ =	shalt  }
0x6f: {  	_ =	shalt  }
0x70: {  	_ =	shalt  }
0x71: {  	_ =	shalt  }
0x72: {  	_ =	shalt  }
0x73: {  	_ =	shalt  }
0x74: {  	_ =	shalt  }
0x75: {  	_ =	shalt  }
0x76: {  	_ =	shalt  }
0x77: {  	_ =	shalt  }
0x78: {  	_ =	shalt  }
0x79: {  	_ =	shalt  }
0x7a: {  	_ =	shalt  }
0x7b: {  	_ =	shalt  }
0x7c: {  	_ =	shalt  }
0x7d: {  	_ =	shalt  }
0x7e: {  	_ =	shalt  }
0x7f: {  	_ =	shalt  }
0x80: {  	_ =	shalt  }
0x81: {  	_ =	shalt  }
0x82: {  	_ =	shalt  }
0x83: {  	_ =	shalt  }
0x84: {  	_ =	shalt  }
0x85: {  	_ =	shalt  }
0x86: {  	_ =	shalt  }
0x87: {  	_ =	shalt  }
.Lfunc_end0:
.L_simem_size_0:
called_computation_lowered:
.L_overlay_start_0:
0x88: {  	s2 =	sld [smem:$0x3FD9]  }
0x89: {  	s3 =	sld [smem:$0x3FFE];
	_ =	sdelay $0x1  }
0x8a: {  	s1 =	srdreg.scid  }
0x8b: {  	s0 =	sand.u32 $0x1, s1  }
0x8c: {  	s16 =	sshll.u32 s0, $0xA;
	s2 =	sadd.s32 s3, s2  }
0x8d: {  	s2 =	sadd.s32 s2, s16  }
0x8e: {  	[smem:$0x3FC5] =	sst s2  }
0x8f: {  	_ = 	snop  }
0x90: {  	(tm) =	ssettm $0x1  }
0x91: {  	s17 =	sld [smem:$0x3FFB];
	_ =	sdelay $0x3  }
0x92: {  	_ =	strace s17  }
0x93: {  	s2 =	sld [smem:$0x3FFC];
	_ =	sdelay $0x3  }
0x94: {  	_ =	strace s2  }
0x95: {  	s2 =	sld [smem:$0x3FFD];
	_ =	sdelay $0x3  }
0x96: {  	_ =	strace s2  }
0x97: {  	_ =	strace $0x8FFFFFFF  }
0x98: {  	s18 =	sld [smem:$0x3FDB];
	_ =	sdelay $0x1  }
0x99: {  	s19 =	simm.s32 $_scs_section_size  }
0x9a: {  	s4 =	simm.s32 $_size__tile_overlayer_lowered;
	s5 =	simm.s32 $_tile_overlayer_lowered  }
0x9b: {  	s22 =	simm.s32 $0x1BFF;
	s21 =	sshll.u32 s5, $0x1;
	s2 =	sadd.s32 s19, s18  }
0x9c: {  	s6 =	simm.s32 $0x0;
	s20 =	sshll.u32 s4, $0x1;
	s4 =	sadd.s32 s21, s2  }
0x9d: {  	[timem:s6], [sflag:s22] =	dma.local [hbm:s4], s20  }
0x9e: {  	_ =	swait.ge [sflag:s22], s20  }
0x9f: {  	s3 =	ssub.s32 $0x0, s20;
	[sflag:s22] =	ssyncset.done $0x0  }
0xa0: {  	[sflag:s22] =	ssyncadd.s32 s3;
	_ =	sdelay $0x1  }
0xa1: {  	s23 =	simm.s32 $0x1B8B  }
0xa2: {  	_ =	swait.ge [sflag:s23], $0x1  }
0xa3: {  	[sflag:s23] =	ssyncset.done $0x0  }
0xa4: {  	s25 =	simm.s32 $0x1B8E;
	s24 =	sld [smem:$0x3FFE];
	[sflag:s23] =	ssyncadd.s32 $0xFFFFFFFF  }
0xa5: {  	s26 =	simm.s32 $execute0_lowered;
	[smem:$0x3FD2] =	sst s25  }
0xa6: {  	s4 =	sshll.u32 s26, $0x1;
	_ =	strace $0x80000046;
	[dreg:$0x1] =	wrdreg $0xFFFFFFFF  }
0xa7: {  	s28 =	simm.s32 $_size_execute0_lowered;
	s2 =	sadd.s32 s2, s4;
	[dreg:$0x0] =	wrdreg $0x0  }
0xa8: {  	s4 =	sshll.u32 s28, $0x1;
	[dreg:$0x2] =	wrdreg s2  }
0xa9: {  	[dreg:$0x3] =	wrdreg s4  }
0xaa: {  	[dreg:$0x4] =	wrdreg $0xC0  }
0xab: {  	_ =	task [dreg:s6], $0x5FFFF  }
0xac: {  	[dreg:$0x1] =	wrdreg $0xFFFFFFFF  }
0xad: {  	[dreg:$0x0] =	wrdreg $0x60  }
0xae: {  	[dreg:$0x2] =	wrdreg s24  }
0xaf: {  	[dreg:$0x3] =	wrdreg $0x9  }
0xb0: {  	_ =	task.clear_ibuf [dreg:s6], $0x4FFFF;
	_ =	strace $0x90000046  }
0xb1: {  	s29 =	simm.s32 $0x9;
	_ =	strace $0x80000048  }
0xb2: {  	_ =	swait.ge [sflag:s29], $0x1  }
0xb3: {  	[sflag:s29] =	ssyncadd.s32 $0xFFFFFFFF  }
0xb4: {  	_ =	strace $0x90000048  }
0xb5: {  	_ =	sfence  }
0xb6: {  	s30 =	sld [smem:$0x0];
	_ =	sdelay $0x2  }
0xb7: {  	s31 =	sshll.u32 s1, $0xD;
	s1 =	sshrl.u32 s1, $0x2  }
0xb8: {  	s3 =	sand.u32 $0x4000, s31;
	s1 =	sadd.s32 s1, s30  }
0xb9: {  	s0 =	sor.u32 s3, s0;
	s1 =	sshll.u32 s1, $0x11  }
0xba: {  	s0 =	sor.u32 s1, s0  }
0xbb: {  	s0 =	sadd.s32 $0x8F2B, s0  }
0xbc: {  	[sflag:s0] =	ssyncadd.remote.s32 $0x1  }
0xbd: {  	_ =	sfence.sel $0xFFFF  }
0xbe: {  	[dreg:$0x0] =	wrdreg $0xFFFFFFFF;
	(pc) =	sbr.abs _section_cstart, $3  }
0xbf: {  	[dreg:$0x1] =	wrdreg $0xFFFFFFFF  }
0xc0: {  	_ =	task.clear_ibuf [dreg:s6], $0x2FFFF;
	_ =	strace $0x9FFFFFFF  }
0xc1: {  	(tm) =	ssettm $0x7FFFFFFF  }
tec
execute0_lowered:
.L_overlay_start_1:
0x0: {  	(tag) =	ssettag $0x1  }
0x1: {  	s1 =	srdreg.scid;
	s0 =	stileid.u32  }
0x2: {  	s5 =	rddreg [dreg:$0x0];
	s2 =	simm.s32 $0x0;
	s11 =	simm.s32 $0xD00  }
0x3: {  	s12 =	simm.s32 $0x50;
	s13 =	simm.s32 $0x1100;
	s14 =	simm.s32 $0x1180  }
0x4: {  	s15 =	simm.s32 $0x1;
	s16 =	simm.s32 $0x1200;
	s17 =	simm.s32 $0x0  }
0x5: {  	s4 =	sand.u32 $0x1, s1;
	s3 =	sshll.u32 s0, $0x1;
	[smem:$0x7FF] =	sst s2  }
0x6: {  	s1 =	rddreg [dreg:$0x1];
	s6 =	sor.u32 s4, s3;
	_ =	strace $0x80000047  }
0x7: {  	s8 =	ssub.s32 $0x2, s4;
	s3 =	smul.u32 $0xC8, s6;
	s6 =	sshll.u32 s6, $0x4  }
0x8: {  	s4 =	sadd.s32 $0x1000, s5;
	s9 =	sshrl.u32 s8, $0x1;
	s10 =	sadd.s32 s6, s5  }
0x9: {  	s8 =	ssub.s32 s8, s9;
	s9 =	simm.s32 $0x2;
	s7 =	sadd.s32 s3, s5  }
0xa: {  	s3 =	sadd.s32 $0x4600, s5;
	s8 =	smax.u32 s8, $0x1;
	s5 =	sadd.s32 $0x1200, s7  }
0xb: {  	s6 =	sadd.s32 $0x2C00, s7;
	s7 =	sadd.s32 $0x23A00, s10;
	s10 =	simm.s32 $0x680  }
.LBB2_1:
0xc: {  	[tilespmem:s2], [sflag:$0x2] =	stream.linear.gather [hbm4b:s5+s2], $0x640, $0x38;
	[tilespmem:$0x1280] =	vst v63  }
0xd: {  	_ =	swait.ge [sflag:s9], $0x640  }
0xe: {  	[sflag:s9] =	ssyncset.done $0x0  }
0xf: {  	[sflag:s9] =	ssyncadd.s32 $0xFFFFF9C0  }
0x10: {  	[tilespmem:s10], [sflag:$0x2] =	stream.linear.gather [hbm4b:s6+s2], $0x640, $0x38;
	[tilespmem:$0x1280] =	vst v63  }
0x11: {  	_ =	swait.ge [sflag:s9], $0x640  }
0x12: {  	[sflag:s9] =	ssyncset.done $0x0  }
0x13: {  	[sflag:s9] =	ssyncadd.s32 $0xFFFFF9C0  }
0x14: {  	[tilespmem:s11], [sflag:$0x2] =	stream.linear.gather [hbm4b:s4+s2], $0x400, $0x38;
	[tilespmem:$0x1280] =	vst v63  }
0x15: {  	_ =	swait.ge [sflag:s9], $0x400  }
0x16: {  	[sflag:s9] =	ssyncset.done $0x0  }
0x17: {  	s18 =	simm.s32 $0x0;
	[sflag:s9] =	ssyncadd.s32 $0xFFFFFC00  }
0x18: {  	v0 =	vld [tilespmem:s18+$0x0]  }
0x19: {  	v1 =	vld [tilespmem:s18+$0x680];
	_ =	sdelay $0x3  }
0x1a: {  	v0 =	vshll.u32 v0, $0xA  }
0x1b: {  	v0 =	vadd.s32 v1, v0  }
0x1c: {  	[tilespmem:$0x1100] =	vst v0  }
0x1d: {  	v0 =	vld [tilespmem:s18+$0x10]  }
0x1e: {  	v1 =	vld [tilespmem:s18+$0x690];
	_ =	sdelay $0x3  }
0x1f: {  	v0 =	vshll.u32 v0, $0xA  }
0x20: {  	v0 =	vadd.s32 v1, v0  }
0x21: {  	[tilespmem:$0x1110] =	vst v0  }
0x22: {  	v0 =	vld [tilespmem:s18+$0x20]  }
0x23: {  	v1 =	vld [tilespmem:s18+$0x6A0];
	_ =	sdelay $0x3  }
0x24: {  	v0 =	vshll.u32 v0, $0xA  }
0x25: {  	v0 =	vadd.s32 v1, v0  }
0x26: {  	[tilespmem:$0x1120] =	vst v0  }
0x27: {  	v0 =	vld [tilespmem:s18+$0x30]  }
0x28: {  	v1 =	vld [tilespmem:s18+$0x6B0];
	_ =	sdelay $0x3  }
0x29: {  	v0 =	vshll.u32 v0, $0xA  }
0x2a: {  	v0 =	vadd.s32 v1, v0  }
0x2b: {  	[tilespmem:$0x1130] =	vst v0  }
0x2c: {  	v0 =	vld [tilespmem:s18+$0x40]  }
0x2d: {  	v1 =	vld [tilespmem:s18+$0x6C0];
	_ =	sdelay $0x3  }
0x2e: {  	v0 =	vshll.u32 v0, $0xA  }
0x2f: {  	v0 =	vadd.s32 v1, v0  }
0x30: {  	[tilespmem:$0x1140] =	vst v0  }
0x31: {  	[tilespmem:s14], [sflag:$0x1] =	stream.indirect.gather [hbm4b:s3+s12], $0x1, s13, s12, $0xb8;
	[tilespmem:$0x1280] =	vst v63  }
0x32: {  	_ =	swait.ge [sflag:s15], $0x50  }
0x33: {  	[sflag:s15] =	ssyncset.done $0x0  }
0x34: {  	[sflag:s15] =	ssyncadd.s32 $0xFFFFFFB0  }
0x35: {  	v0 =	vld [tilespmem:s18+$0x40]  }
0x36: {  	v1 =	vld [tilespmem:s18+$0x30]  }
0x37: {  	v2 =	vld [tilespmem:s18+$0x20]  }
0x38: {  	v3 =	vld [tilespmem:s18+$0x10]  }
0x39: {  	v4 =	vld [tilespmem:s18+$0x0]  }
0x3a: {  	s18 =	simm.s32 $0x50;
	v8 =	vld [tilespmem:$0x1190]  }
0x3b: {  	v5 =	vld [tilespmem:s18+$0x0]  }
0x3c: {  	v6 =	vld [tilespmem:s18+$0x680]  }
0x3d: {  	v0 =	vld.idx.msk [tilespmem:v0+s11+$0x0], $0xffff  }
0x3e: {  	v7 =	vld.idx.msk [tilespmem:v1+s11+$0x0], $0xffff  }
0x3f: {  	v2 =	vld.idx.msk [tilespmem:v2+s11+$0x0], $0xffff  }
0x40: {  	v1 =	vshll.u32 v5, $0xA;
	v3 =	vld.idx.msk [tilespmem:v3+s11+$0x0], $0xffff  }
0x41: {  	v4 =	vld.idx.msk [tilespmem:v4+s11+$0x0], $0xffff;
	v1 =	vadd.s32 v6, v1  }
0x42: {  	v5 =	vld [tilespmem:$0x1180];
	[tilespmem:$0x1100] =	vst v1  }
0x43: {  	v1 =	vld [tilespmem:s18+$0x10]  }
0x44: {  	v6 =	vld [tilespmem:s18+$0x690];
	_ =	sdelay $0x1  }
0x45: {  	v9 =	vld [tilespmem:$0x11A0]  }
0x46: {  	v10 =	vld [tilespmem:$0x11B0];
	v4 =	vsub.f32 v4, v5  }
0x47: {  	v5 =	vimm.f32 $0.0e+00;
	v1 =	vshll.u32 v1, $0xA  }
0x48: {  	v3 =	vsub.f32 v3, v8;
	v4 =	vadd.f32 v4, v5;
	v6 =	vadd.s32 v6, v1;
	v1 =	vld [tilespmem:$0x11C0]  }
0x49: {  	[tilespmem:$0x1110] =	vst v6  }
0x4a: {  	v2 =	vsub.f32 v2, v9;
	v4 =	vadd.f32 v3, v4;
	v5 =	vld [tilespmem:s18+$0x20]  }
0x4b: {  	s19 =	simm.s32 $0x280;
	v3 =	vsub.f32 v7, v10;
	v6 =	vld [tilespmem:s18+$0x6A0]  }
.LBB2_2:
0x4c: {  	p0 =	sne.s32 s19, $0x17C0;
	v2 =	vadd.f32 v2, v4;
	s20 =	smov.u32 s19;
	s19 =	sadd.s32 $0x140, s19  }
0x4d: {  	v0 =	vsub.f32 v0, v1  }
0x4e: {  	v1 =	vadd.f32 v3, v2  }
0x4f: {  	v2 =	vshll.u32 v5, $0xA  }
0x50: {  	v2 =	vadd.s32 v6, v2;
	v3 =	vadd.f32 v0, v1  }
0x51: {  	[tilespmem:$0x1120] =	vst v2  }
0x52: {  	v0 =	vld [tilespmem:s18+$0x30]  }
0x53: {  	v1 =	vld [tilespmem:s18+$0x6B0];
	_ =	sdelay $0x3  }
0x54: {  	v0 =	vshll.u32 v0, $0xA  }
0x55: {  	v0 =	vadd.s32 v1, v0  }
0x56: {  	[tilespmem:$0x1130] =	vst v0  }
0x57: {  	v0 =	vld [tilespmem:s18+$0x40]  }
0x58: {  	v1 =	vld [tilespmem:s18+$0x6C0];
	_ =	sdelay $0x3  }
0x59: {  	v0 =	vshll.u32 v0, $0xA  }
0x5a: {  	v0 =	vadd.s32 v1, v0  }
0x5b: {  	[tilespmem:$0x1140] =	vst v0  }
0x5c: {  	[tilespmem:s14], [sflag:$0x1] =	stream.indirect.gather [hbm4b:s3+s12], $0x1, s13, s12, $0xb8;
	[tilespmem:$0x1280] =	vst v63  }
0x5d: {  	_ =	swait.ge [sflag:s15], $0x50  }
0x5e: {  	[sflag:s15] =	ssyncset.done $0x0  }
0x5f: {  	[sflag:s15] =	ssyncadd.s32 $0xFFFFFFB0  }
0x60: {  	v0 =	vld [tilespmem:s18+$0x40]  }
0x61: {  	v1 =	vld [tilespmem:s18+$0x30]  }
0x62: {  	v2 =	vld [tilespmem:s18+$0x20]  }
0x63: {  	v4 =	vld [tilespmem:s18+$0x10]  }
0x64: {  	v5 =	vld [tilespmem:s18+$0x0]  }
0x65: {  	s18 =	sshra.s32 s20, $0x2;
	v6 =	vld [tilespmem:$0x1180]  }
0x66: {  	v7 =	vld [tilespmem:s18+$0x0]  }
0x67: {  	v8 =	vld [tilespmem:s18+$0x680]  }
0x68: {  	v0 =	vld.idx.msk [tilespmem:v0+s11+$0x0], $0xffff  }
0x69: {  	v9 =	vld.idx.msk [tilespmem:v1+s11+$0x0], $0xffff  }
0x6a: {  	v2 =	vld.idx.msk [tilespmem:v2+s11+$0x0], $0xffff  }
0x6b: {  	v1 =	vshll.u32 v7, $0xA;
	v4 =	vld.idx.msk [tilespmem:v4+s11+$0x0], $0xffff  }
0x6c: {  	v1 =	vadd.s32 v8, v1;
	v5 =	vld.idx.msk [tilespmem:v5+s11+$0x0], $0xffff  }
0x6d: {  	[tilespmem:$0x1100] =	vst v1;
	v1 =	vld [tilespmem:$0x1190]  }
0x6e: {  	v7 =	vld [tilespmem:s18+$0x10]  }
0x6f: {  	v8 =	vld [tilespmem:s18+$0x690]  }
0x70: {  	v10 =	vld [tilespmem:$0x11A0]  }
0x71: {  	v11 =	vld [tilespmem:$0x11B0]  }
0x72: {  	v5 =	vsub.f32 v5, v6;
	v4 =	vsub.f32 v4, v1;
	v1 =	vld [tilespmem:$0x11C0]  }
.Ltmp0:
0x73: {  	v6 =	vshll.u32 v7, $0xA;
	(pc) =	sbr.rel @p0 .LBB2_2-.Ltmp0, $4  }
0x74: {  	v3 =	vadd.f32 v5, v3;
	v6 =	vadd.s32 v8, v6  }
0x75: {  	[tilespmem:$0x1110] =	vst v6;
	v2 =	vsub.f32 v2, v10  }
0x76: {  	v4 =	vadd.f32 v4, v3;
	v5 =	vld [tilespmem:s18+$0x20]  }
0x77: {  	v3 =	vsub.f32 v9, v11;
	v6 =	vld [tilespmem:s18+$0x6A0]  }
0x78: {  	_ =	sdelay $0x2  }
0x79: {  	v5 =	vshll.u32 v5, $0xA  }
0x7a: {  	v5 =	vadd.s32 v6, v5  }
0x7b: {  	[tilespmem:$0x1120] =	vst v5  }
0x7c: {  	v5 =	vld [tilespmem:s18+$0x30]  }
0x7d: {  	v50 =	vld [tilespmem:s18+$0x6B0];
	_ =	sdelay $0x3  }
0x7e: {  	v5 =	vshll.u32 v5, $0xA  }
0x7f: {  	v5 =	vadd.s32 v50, v5  }
0x80: {  	[tilespmem:$0x1130] =	vst v5  }
0x81: {  	v5 =	vld [tilespmem:s18+$0x40]  }
0x82: {  	v51 =	vld [tilespmem:s18+$0x6C0];
	_ =	sdelay $0x3  }
0x83: {  	v5 =	vshll.u32 v5, $0xA  }
0x84: {  	v5 =	vadd.s32 v51, v5  }
0x85: {  	[tilespmem:$0x1140] =	vst v5  }
0x86: {  	[tilespmem:s14], [sflag:$0x1] =	stream.indirect.gather [hbm4b:s3+s12], $0x1, s13, s12, $0xb8;
	[tilespmem:$0x1280] =	vst v63  }
0x87: {  	_ =	swait.ge [sflag:s15], $0x50  }
0x88: {  	[sflag:s15] =	ssyncset.done $0x0  }
0x89: {  	[sflag:s15] =	ssyncadd.s32 $0xFFFFFFB0  }
0x8a: {  	v52 =	vld [tilespmem:s18+$0x0];
	_ =	sdelay $0x1  }
0x8b: {  	v53 =	vld [tilespmem:s18+$0x10];
	_ =	sdelay $0x1  }
0x8c: {  	v7 =	vld [tilespmem:s18+$0x20]  }
0x8d: {  	v8 =	vld [tilespmem:s18+$0x30]  }
0x8e: {  	v9 =	vld [tilespmem:s18+$0x40]  }
0x8f: {  	v10 =	vld [tilespmem:$0x1180]  }
0x90: {  	v5 =	vld.idx.msk [tilespmem:v52+s11+$0x0], $0xffff  }
0x91: {  	v2 =	vadd.f32 v2, v4;
	v55 =	vld [tilespmem:$0x1190]  }
0x92: {  	v54 =	vld.idx.msk [tilespmem:v53+s11+$0x0], $0xffff  }
0x93: {  	v0 =	vsub.f32 v0, v1;
	v56 =	vadd.f32 v3, v2;
	v58 =	vld [tilespmem:$0x11A0]  }
0x94: {  	v57 =	vld.idx.msk [tilespmem:v7+s11+$0x0], $0xffff  }
0x95: {  	v0 =	vadd.f32 v0, v56;
	v60 =	vld [tilespmem:$0x11B0];
	v5 =	vsub.f32 v5, v10  }
0x96: {  	v59 =	vld.idx.msk [tilespmem:v8+s11+$0x0], $0xffff  }
0x97: {  	v62 =	vld [tilespmem:$0x11C0];
	v4 =	vsub.f32 v54, v55;
	v0 =	vadd.f32 v5, v0  }
0x98: {  	v61 =	vld.idx.msk [tilespmem:v9+s11+$0x0], $0xffff  }
0x99: {  	v2 =	vsub.f32 v57, v58;
	v0 =	vadd.f32 v4, v0;
	_ =	sdelay $0x1  }
0x9a: {  	v1 =	vsub.f32 v59, v60;
	v0 =	vadd.f32 v2, v0;
	_ =	sdelay $0x1  }
0x9b: {  	v63 =	vsub.f32 v61, v62;
	v0 =	vadd.f32 v1, v0;
	_ =	sdelay $0x1  }
0x9c: {  	s17 =	sadd.s32 $0x1, s17;
	v0 =	vadd.f32 v63, v0  }
0x9d: {  	p0 =	sne.s32 s17, s8  }
.Ltmp1:
0x9e: {  	[tilespmem:$0x1200] =	vst v0;
	(pc) =	sbr.rel @p0 .LBB2_1-.Ltmp1, $4  }
0x9f: {  	[hbm4b:s7+s2] =	stream.linear.scatter [tilespmem:s16], [sflag:$0x2], $0x80, $0x38;
	[tilespmem:$0x1280] =	vst v63  }
0xa0: {  	_ =	swait.ge [sflag:s9], $0x80  }
0xa1: {  	[sflag:s9] =	ssyncset.done $0x0  }
0xa2: {  	[sflag:s9] =	ssyncadd.s32 $0xFFFFFF80  }
0xa3: {  	_ =	sfence.sel $0x180000  }
0xa4: {  	[bflag:$0x0] =	sbarrier.arrive $0xFFFF  }
0xa5: {  	p0 =	sne.s32 s0, $0x0;
	_ =	strace $0x90000047  }
0xa6: {  	s0 =	sadd.s32 @!p0 $0x100000, s1;
	[bflag:$0x2] =	sbarrier.arrive $0xFFFF  }
0xa7: {  	[sflag:s0] =	ssyncadd.tile.s32 @!p0 $0x1;
	_ =	shalt  }
.Lfunc_end2:
_tile_overlayer_lowered:
.L_overlay_start_2:
0xa8: {  	(tag) =	ssettag $0x2  }
0xa9: {  	s0 =	rddreg [dreg:$0x0];
	s2 =	stileid.u32  }
0xaa: {  	s1 =	rddreg [dreg:$0x1];
	p0 =	sne.s32 s2, $0x0  }
0xab: {  	s3 =	rddreg [dreg:$0x2];
	[bflag:$0x3] =	sbarrier.arrive $0xFFFF;
	s2 =	simm.s32 @!p0 $0x1C02  }
0xac: {  	[timem:s3], [sflag:s2] =	dma.local @!p0 [hbm:s0], s1  }
0xad: {  	s0 =	simm.s32 @!p0 $0x2  }
0xae: {  	_ =	swait.ge @!p0 [sflag:s0], s1  }
0xaf: {  	s1 =	ssub.s32 @!p0 $0x0, s1;
	[sflag:s0] =	ssyncset.done @!p0 $0x0  }
0xb0: {  	[sflag:s0] =	ssyncadd.s32 @!p0 s1  }
0xb1: {  	[bflag:$0x3] =	sbarrier.arrive $0xFFFF  }
0xb2: {  	_ =	shalt  }

</sc_bundles>
